<compile_context>
chip_gen: v7x
topology: tpu7x:2x2x1
jax: 0.10.2.dev20260603
libtpu: 0.0.44.dev20260713+nightly
codegen_flags: <defaults>
</compile_context>

<pallas_src>
import functools

import jax
import jax.numpy as jnp
from jax import lax
from jax.experimental import pallas as pl
from jax.experimental.pallas import tpu as pltpu
from jax.experimental.pallas import tpu_sc as plsc


def _sc_gather_rows(Z, idx, B, D):
    info = plsc.get_sparse_core_info()
    NC, NS = 1, info.num_subcores
    NW = NC * NS
    b_per_w = B // NW
    mesh = plsc.VectorSubcoreMesh(core_axis_name="c", subcore_axis_name="s",
                                  num_cores=NC)

    @functools.partial(
        pl.kernel,
        mesh=mesh,
        out_type=jax.ShapeDtypeStruct((B, D), jnp.float32),
        scratch_types=[
            pltpu.VMEM((b_per_w,), jnp.int32),
            pltpu.VMEM((b_per_w, D), jnp.float32),
            pltpu.SemaphoreType.DMA,
        ],
    )
    def gather_kernel(z_hbm, idx_hbm, out_hbm, idx_v, rows_v, sem):
        wid = lax.axis_index("s") * NC + lax.axis_index("c")
        base = wid * b_per_w
        pltpu.sync_copy(idx_hbm.at[pl.ds(base, b_per_w)], idx_v)
        pltpu.async_copy(z_hbm.at[idx_v], rows_v, sem).wait()
        pltpu.sync_copy(rows_v, out_hbm.at[pl.ds(base, b_per_w)])

    return gather_kernel(Z, idx)


def _tc_dense(x_ref, gcn_w_ref, gcn_b_ref, lin_w_ref, lin_b_ref,
              wa_ref, wb_ref, wc_ref,
              z_ref, w1_ref, w2_ref, w3_ref):
    h = lax.dot_general(x_ref[...], gcn_w_ref[...],
                        (((1,), (1,)), ((), ())),
                        preferred_element_type=jnp.float32)
    h = jnp.maximum(h + gcn_b_ref[...], 0.0)
    hh = jnp.concatenate([h, h], axis=1)
    biasT = lax.dot_general(lin_b_ref[...],
                            jnp.ones((1, hh.shape[0]), jnp.float32),
                            (((0,), (0,)), ((), ())),
                            preferred_element_type=jnp.float32)
    z_ref[...] = lax.dot_general(lin_w_ref[...], hh,
                                 (((1,), (1,)), ((), ())),
                                 preferred_element_type=jnp.float32) + biasT
    for w_ref, o_ref in ((wa_ref, w1_ref), (wb_ref, w2_ref), (wc_ref, w3_ref)):
        w = w_ref[...]
        e = jnp.exp(w - jnp.max(w, axis=1, keepdims=True))
        o_ref[...] = e / jnp.sum(e, axis=1, keepdims=True)


def kernel(A_edge_index, A_edge_value, X, target_x,
           conv_w_l1a, conv_w_l1b, conv_w_l2,
           gcn_w, gcn_b, lin_w, lin_b):
    del A_edge_index, A_edge_value
    N = X.shape[0]
    B = target_x.shape[0]
    C = lin_w.shape[0]
    D = X.shape[1]
    xg = _sc_gather_rows(X, target_x.astype(jnp.int32), B, D)
    out_shapes = (
        jax.ShapeDtypeStruct((C, B), jnp.float32),
        jax.ShapeDtypeStruct(conv_w_l1a.shape, jnp.float32),
        jax.ShapeDtypeStruct(conv_w_l1b.shape, jnp.float32),
        jax.ShapeDtypeStruct(conv_w_l2.shape, jnp.float32),
    )
    yT, W1, W2, W3 = pl.pallas_call(_tc_dense, out_shape=out_shapes)(
        xg, gcn_w, gcn_b.reshape(1, -1), lin_w, lin_b.reshape(1, -1),
        conv_w_l1a, conv_w_l1b, conv_w_l2)
    return (yT.T, W1, W2, W3)

# --- scband reference (transcript-rebuilt; emitter-appended) ---
"""Pipeline reference for scband-gtn-42614665511413 (READ-ONLY COPY).

The authoritative reference and input builder live on the scoring server;
editing this copy changes nothing except your own understanding.
"""

import jax, jax.numpy as jnp
import numpy as np

NUM_EDGE = 4
NUM_CHANNELS = 2
W_IN = 128
W_OUT = 64
NUM_CLASS = 16
NUM_NODES = 4096
E_PER = 131072
N_TARGET = 1024


def _xavier(key, shape):
    fan_out, fan_in = shape[0], shape[1]
    a = float(np.sqrt(6.0 / (fan_in + fan_out)))
    return jax.random.uniform(key, shape, jnp.float32, -a, a)


def setup_inputs(seed: int = 0):
    key = jax.random.key(seed)
    ks = jax.random.split(key, 11)
    A_edge_index = jax.random.randint(ks[0], (NUM_EDGE, 2, E_PER), 0, NUM_NODES)
    A_edge_value = jax.random.uniform(ks[1], (NUM_EDGE, E_PER), jnp.float32)
    X = jax.random.normal(ks[2], (NUM_NODES, W_IN), jnp.float32)
    target_x = jax.random.randint(ks[3], (N_TARGET,), 0, NUM_NODES)
    conv_w_l1a = _xavier(ks[4], (NUM_CHANNELS, NUM_EDGE))
    conv_w_l1b = _xavier(ks[5], (NUM_CHANNELS, NUM_EDGE))
    conv_w_l2 = _xavier(ks[6], (NUM_CHANNELS, NUM_EDGE))
    gcn_w = _xavier(ks[7], (W_OUT, W_IN))
    gcn_b = jnp.zeros((W_OUT,), jnp.float32)
    lin_w = _xavier(ks[8], (NUM_CLASS, W_OUT * NUM_CHANNELS))
    lin_b = jnp.zeros((NUM_CLASS,), jnp.float32)
    return {"A_edge_index": A_edge_index, "A_edge_value": A_edge_value, "X": X, "target_x": target_x, "conv_w_l1a": conv_w_l1a, "conv_w_l1b": conv_w_l1b, "conv_w_l2": conv_w_l2, "gcn_w": gcn_w, "gcn_b": gcn_b, "lin_w": lin_w, "lin_b": lin_b}


def _dense_adj(A_edge_index, A_edge_value, n):
    # scatter-add coalesce: duplicate (row, col) entries sum, exactly like torch_sparse.coalesce(op='add')
    def one(ei, ev):
        return jnp.zeros((n, n), ev.dtype).at[ei[0], ei[1]].add(ev)
    return jax.vmap(one)(A_edge_index, A_edge_value)


def _gtconv(weight, A_dense):
    # GTConv: softmax over edge types, weighted sum of adjacencies.
    # Original multiplies edge values by weight[i, j].item(), which detaches the
    # weight from the value path, hence stop_gradient here; returned W keeps grad.
    w = jax.nn.softmax(weight, axis=1)
    res = jnp.einsum('ce,enm->cnm', jax.lax.stop_gradient(w), A_dense)
    return res, w


def _normalize(H):
    # deg = scatter_add(value, row) == row-sum of dense H; value *= deg_inv_sqrt[row]
    deg = H.sum(axis=2)
    dsafe = jnp.where(deg > 0, deg, 1.0)
    deg_inv_sqrt = jnp.where(deg > 0, dsafe ** -0.5, 0.0)
    return H * deg_inv_sqrt[:, :, None]


def reference(A_edge_index, A_edge_value, X, target_x, conv_w_l1a, conv_w_l1b, conv_w_l2, gcn_w, gcn_b, lin_w, lin_b):
    A_dense = _dense_adj(A_edge_index, A_edge_value, NUM_NODES)
    # layer 0 (first=True): two GTConvs, sparse mm per channel
    res_A, W1 = _gtconv(conv_w_l1a, A_dense)
    res_B, W2 = _gtconv(conv_w_l1b, A_dense)
    H = jnp.einsum('cik,ckj->cij', res_A, res_B)
    H = _normalize(H)
    # layer 1 (first=False): result_A = previous H, one GTConv for result_B
    res_B2, W3 = _gtconv(conv_w_l2, A_dense)
    H = jnp.einsum('cik,ckj->cij', H, res_B2)
    H = _normalize(H)
    # GCN branch (note: original forward applies gcn(X) per channel without using H's edges)
    x = jax.nn.relu(X @ gcn_w.T + gcn_b)
    X_ = jnp.concatenate([x for _ in range(NUM_CHANNELS)], axis=1)
    y = X_[target_x] @ lin_w.T + lin_b
    return (y, W1, W2, W3)

if __name__ == "__main__":
    import jax
    _d = setup_inputs()
    print(jax.jit(kernel)(*tuple(_d.values())))

</pallas_src>

<mosaic_0001>
#map = affine_map<(d0, d1) -> (0, 0)>
#map1 = affine_map<(d0, d1) -> (0)>
module attributes {stable_mosaic.version = 14 : i64} {
  func.func @gather_kernel(%arg0: i32, %arg1: i32, %arg2: memref<4096x128xf32, #tpu.memory_space<hbm>>, %arg3: memref<1024xi32, #tpu.memory_space<hbm>>, %arg4: memref<1024x128xf32, #tpu.memory_space<hbm>>, %arg5: memref<64xi32, #tpu.memory_space<vmem>>, %arg6: memref<64x128xf32, #tpu.memory_space<vmem>>, %arg7: memref<!tpu.dma_semaphore, #tpu.memory_space<semaphore_mem>>) attributes {dimension_semantics = [#tpu.dimension_semantics<core_parallel>, #tpu.dimension_semantics<subcore_parallel>], iteration_bounds = array<i64: 1, 16>, scalar_prefetch = 0 : i64, scratch_operands = 3 : i64, tpu.core_type = #tpu.core_type<sc_vector_subcore>, window_params = [{transform_indices = #map}, {transform_indices = #map1}, {transform_indices = #map}]} {
    %mul3A = arith.constant 1 : i32
    %mul3A_0 = arith.muli %arg1, %mul3A : i32
    %add3A = arith.addi %mul3A_0, %arg0 : i32
    %mul3A_1 = arith.constant 64 : i32
    %mul3A_2 = arith.muli %add3A, %mul3A_1 : i32
    "tpu.region"() ({
      %run_scoped3A = tpu.sem_alloc : memref<!tpu.dma_semaphore, #tpu.memory_space<semaphore_mem>>
      %dma_start3A_7 = tpu.memref_slice %arg3[%mul3A_2] : memref<1024xi32, #tpu.memory_space<hbm>> -> memref<64xi32, #tpu.memory_space<hbm>>
      %dma_start3A_8 = tpu.memref_slice %arg3[%mul3A_2] : memref<1024xi32, #tpu.memory_space<hbm>> -> memref<64xi32, #tpu.memory_space<hbm>>
      tpu.enqueue_dma source(%dma_start3A_8 : memref<64xi32, #tpu.memory_space<hbm>>) target(%arg5 : memref<64xi32, #tpu.memory_space<vmem>>) target_semaphore(%run_scoped3A : memref<!tpu.dma_semaphore, #tpu.memory_space<semaphore_mem>>)
      %dma_wait3A_9 = tpu.memref_slice %arg3[%mul3A_2] : memref<1024xi32, #tpu.memory_space<hbm>> -> memref<64xi32, #tpu.memory_space<hbm>>
      %dma_wait3A_10 = tpu.memref_slice %arg3[%mul3A_2] : memref<1024xi32, #tpu.memory_space<hbm>> -> memref<64xi32, #tpu.memory_space<hbm>>
      tpu.wait_dma2 semaphore(%run_scoped3A : memref<!tpu.dma_semaphore, #tpu.memory_space<semaphore_mem>>) src(%dma_wait3A_10 : memref<64xi32, #tpu.memory_space<hbm>>) dst(%arg5 : memref<64xi32, #tpu.memory_space<vmem>>)
      tpu.yield
    }) : () -> ()
    %dma_start3A = arith.constant 0 : i32
    %dma_start3A_3 = arith.constant 0 : i32
    %dma_start3A_4 = tpu.memref_slice %arg2[%dma_start3A, %dma_start3A_3] : memref<4096x128xf32, #tpu.memory_space<hbm>> -> memref<4096x128xf32, #tpu.memory_space<hbm>>
    tpu.enqueue_indirect_dma source(%dma_start3A_4 : memref<4096x128xf32, #tpu.memory_space<hbm>>) target(%arg6 : memref<64x128xf32, #tpu.memory_space<vmem>>) offsets(%arg5 : memref<64xi32, #tpu.memory_space<vmem>>) semaphore(%arg7 : memref<!tpu.dma_semaphore, #tpu.memory_space<semaphore_mem>>)
    %dma_wait3A = arith.constant 0 : i32
    %dma_wait3A_5 = arith.constant 0 : i32
    %dma_wait3A_6 = tpu.memref_slice %arg2[%dma_wait3A, %dma_wait3A_5] : memref<4096x128xf32, #tpu.memory_space<hbm>> -> memref<4096x128xf32, #tpu.memory_space<hbm>>
    tpu.wait_indirect_dma semaphore(%arg7 : memref<!tpu.dma_semaphore, #tpu.memory_space<semaphore_mem>>) src(%dma_wait3A_6 : memref<4096x128xf32, #tpu.memory_space<hbm>>) dst(%arg6 : memref<64x128xf32, #tpu.memory_space<vmem>>)
    "tpu.region"() ({
      %run_scoped3A = tpu.sem_alloc : memref<!tpu.dma_semaphore, #tpu.memory_space<semaphore_mem>>
      %dma_start3A_7 = arith.constant 0 : i32
      %dma_start3A_8 = tpu.memref_slice %arg4[%mul3A_2, %dma_start3A_7] : memref<1024x128xf32, #tpu.memory_space<hbm>> -> memref<64x128xf32, #tpu.memory_space<hbm>>
      %dma_start3A_9 = arith.constant 0 : i32
      %dma_start3A_10 = tpu.memref_slice %arg4[%mul3A_2, %dma_start3A_9] : memref<1024x128xf32, #tpu.memory_space<hbm>> -> memref<64x128xf32, #tpu.memory_space<hbm>>
      tpu.enqueue_dma source(%arg6 : memref<64x128xf32, #tpu.memory_space<vmem>>) target(%dma_start3A_10 : memref<64x128xf32, #tpu.memory_space<hbm>>) target_semaphore(%run_scoped3A : memref<!tpu.dma_semaphore, #tpu.memory_space<semaphore_mem>>)
      %dma_wait3A_11 = arith.constant 0 : i32
      %dma_wait3A_12 = tpu.memref_slice %arg4[%mul3A_2, %dma_wait3A_11] : memref<1024x128xf32, #tpu.memory_space<hbm>> -> memref<64x128xf32, #tpu.memory_space<hbm>>
      %dma_wait3A_13 = arith.constant 0 : i32
      %dma_wait3A_14 = tpu.memref_slice %arg4[%mul3A_2, %dma_wait3A_13] : memref<1024x128xf32, #tpu.memory_space<hbm>> -> memref<64x128xf32, #tpu.memory_space<hbm>>
      tpu.wait_dma2 semaphore(%run_scoped3A : memref<!tpu.dma_semaphore, #tpu.memory_space<semaphore_mem>>) src(%arg6 : memref<64x128xf32, #tpu.memory_space<vmem>>) dst(%dma_wait3A_14 : memref<64x128xf32, #tpu.memory_space<hbm>>)
      tpu.yield
    }) : () -> ()
    return
  }
}

module attributes {stable_mosaic.version = 14 : i64} {
  func.func @_tc_dense(%arg0: memref<1024x128xf32, #tpu.memory_space<vmem>>, %arg1: memref<64x128xf32, #tpu.memory_space<vmem>>, %arg2: memref<1x64xf32, #tpu.memory_space<vmem>>, %arg3: memref<16x128xf32, #tpu.memory_space<vmem>>, %arg4: memref<1x16xf32, #tpu.memory_space<vmem>>, %arg5: memref<2x4xf32, #tpu.memory_space<vmem>>, %arg6: memref<2x4xf32, #tpu.memory_space<vmem>>, %arg7: memref<2x4xf32, #tpu.memory_space<vmem>>, %arg8: memref<16x1024xf32, #tpu.memory_space<vmem>>, %arg9: memref<2x4xf32, #tpu.memory_space<vmem>>, %arg10: memref<2x4xf32, #tpu.memory_space<vmem>>, %arg11: memref<2x4xf32, #tpu.memory_space<vmem>>) attributes {dimension_semantics = [], scalar_prefetch = 0 : i64, scratch_operands = 0 : i64, tpu.core_type = #tpu.core_type<tc>} {
    %get3A = arith.constant 0 : index
    %get3A_0 = arith.constant 0 : index
    %get3A_1 = vector.load %arg0[%get3A, %get3A_0] : memref<1024x128xf32, #tpu.memory_space<vmem>>, vector<1024x128xf32>
    %get3A_2 = arith.constant 0 : index
    %get3A_3 = arith.constant 0 : index
    %get3A_4 = vector.load %arg1[%get3A_2, %get3A_3] : memref<64x128xf32, #tpu.memory_space<vmem>>, vector<64x128xf32>
    %dot_general3A = arith.constant dense<0.000000e+00> : vector<1024x64xf32>
    %dot_general3A_5 = tpu.matmul %get3A_1, %get3A_4, %dot_general3A {dimension_numbers = #tpu.dot_dimension_numbers<[1], [1], [0], [0], [0, 0, 1, 0], [], []>, transpose_lhs_hint = false} : vector<1024x128xf32>, vector<64x128xf32>, vector<1024x64xf32> -> vector<1024x64xf32>
    %get3A_6 = arith.constant 0 : index
    %get3A_7 = arith.constant 0 : index
    %get3A_8 = vector.load %arg2[%get3A_6, %get3A_7] : memref<1x64xf32, #tpu.memory_space<vmem>>, vector<1x64xf32>
    %add3A = vector.broadcast %get3A_8 : vector<1x64xf32> to vector<1024x64xf32>
    %add3A_9 = arith.addf %dot_general3A_5, %add3A : vector<1024x64xf32>
    %max3A = arith.constant 0.000000e+00 : f32
    %max3A_10 = vector.broadcast %max3A : f32 to vector<1024x64xf32>
    %max3A_11 = arith.maximumf %add3A_9, %max3A_10 : vector<1024x64xf32>
    %concatenate3A = tpu.concatenate %max3A_11, %max3A_11 in 1 : vector<1024x64xf32>, vector<1024x64xf32> -> vector<1024x128xf32>
    %get3A_12 = arith.constant 0 : index
    %get3A_13 = arith.constant 0 : index
    %get3A_14 = vector.load %arg4[%get3A_12, %get3A_13] : memref<1x16xf32, #tpu.memory_space<vmem>>, vector<1x16xf32>
    %broadcast_in_dim3A = arith.constant 1.000000e+00 : f32
    %broadcast_in_dim3A_15 = vector.broadcast %broadcast_in_dim3A : f32 to vector<1x1024xf32>
    %dot_general3A_16 = arith.constant dense<0.000000e+00> : vector<16x1024xf32>
    %dot_general3A_17 = tpu.matmul %get3A_14, %broadcast_in_dim3A_15, %dot_general3A_16 {dimension_numbers = #tpu.dot_dimension_numbers<[0], [0], [1], [1], [0, 1, 1, 1], [], []>, transpose_lhs_hint = false} : vector<1x16xf32>, vector<1x1024xf32>, vector<16x1024xf32> -> vector<16x1024xf32>
    %get3A_18 = arith.constant 0 : index
    %get3A_19 = arith.constant 0 : index
    %get3A_20 = vector.load %arg3[%get3A_18, %get3A_19] : memref<16x128xf32, #tpu.memory_space<vmem>>, vector<16x128xf32>
    %dot_general3A_21 = arith.constant dense<0.000000e+00> : vector<16x1024xf32>
    %dot_general3A_22 = tpu.matmul %get3A_20, %concatenate3A, %dot_general3A_21 {dimension_numbers = #tpu.dot_dimension_numbers<[1], [1], [0], [0], [0, 0, 1, 0], [], []>, transpose_lhs_hint = false} : vector<16x128xf32>, vector<1024x128xf32>, vector<16x1024xf32> -> vector<16x1024xf32>
    %add3A_23 = arith.addf %dot_general3A_22, %dot_general3A_17 : vector<16x1024xf32>
    %swap3A = arith.constant 0 : index
    %swap3A_24 = arith.constant 0 : index
    %swap3A_25 = vector.load %arg8[%swap3A, %swap3A_24] : memref<16x1024xf32, #tpu.memory_space<vmem>>, vector<16x1024xf32>
    tpu.vector_store %arg8[%swap3A, %swap3A_24], %add3A_23 {strides = array<i32>} : memref<16x1024xf32, #tpu.memory_space<vmem>>, vector<16x1024xf32>,
    %get3A_26 = arith.constant 0 : index
    %get3A_27 = arith.constant 0 : index
    %get3A_28 = vector.load %arg5[%get3A_26, %get3A_27] : memref<2x4xf32, #tpu.memory_space<vmem>>, vector<2x4xf32>
    %reduce_max3A = arith.constant dense<0xFF800000> : vector<2xf32>
    %reduce_max3A_29 = vector.multi_reduction <maximumf>, %get3A_28, %reduce_max3A [1] : vector<2x4xf32> to vector<2xf32>
    %broadcast_in_dim3A_30 = vector.shape_cast %reduce_max3A_29 : vector<2xf32> to vector<2x1xf32>
    %sub3A = vector.broadcast %broadcast_in_dim3A_30 : vector<2x1xf32> to vector<2x4xf32>
    %sub3A_31 = arith.subf %get3A_28, %sub3A : vector<2x4xf32>
    %exp3A = math.exp %sub3A_31 : vector<2x4xf32>
    %reduce_sum3A = arith.constant dense<0.000000e+00> : vector<2xf32>
    %reduce_sum3A_32 = vector.multi_reduction <add>, %exp3A, %reduce_sum3A [1] : vector<2x4xf32> to vector<2xf32>
    %broadcast_in_dim3A_33 = vector.shape_cast %reduce_sum3A_32 : vector<2xf32> to vector<2x1xf32>
    %div3A = vector.broadcast %broadcast_in_dim3A_33 : vector<2x1xf32> to vector<2x4xf32>
    %div3A_34 = arith.divf %exp3A, %div3A : vector<2x4xf32>
    %swap3A_35 = arith.constant 0 : index
    %swap3A_36 = arith.constant 0 : index
    %swap3A_37 = vector.load %arg9[%swap3A_35, %swap3A_36] : memref<2x4xf32, #tpu.memory_space<vmem>>, vector<2x4xf32>
    tpu.vector_store %arg9[%swap3A_35, %swap3A_36], %div3A_34 {strides = array<i32>} : memref<2x4xf32, #tpu.memory_space<vmem>>, vector<2x4xf32>,
    %get3A_38 = arith.constant 0 : index
    %get3A_39 = arith.constant 0 : index
    %get3A_40 = vector.load %arg6[%get3A_38, %get3A_39] : memref<2x4xf32, #tpu.memory_space<vmem>>, vector<2x4xf32>
    %reduce_max3A_41 = arith.constant dense<0xFF800000> : vector<2xf32>
    %reduce_max3A_42 = vector.multi_reduction <maximumf>, %get3A_40, %reduce_max3A_41 [1] : vector<2x4xf32> to vector<2xf32>
    %broadcast_in_dim3A_43 = vector.shape_cast %reduce_max3A_42 : vector<2xf32> to vector<2x1xf32>
    %sub3A_44 = vector.broadcast %broadcast_in_dim3A_43 : vector<2x1xf32> to vector<2x4xf32>
    %sub3A_45 = arith.subf %get3A_40, %sub3A_44 : vector<2x4xf32>
    %exp3A_46 = math.exp %sub3A_45 : vector<2x4xf32>
    %reduce_sum3A_47 = arith.constant dense<0.000000e+00> : vector<2xf32>
    %reduce_sum3A_48 = vector.multi_reduction <add>, %exp3A_46, %reduce_sum3A_47 [1] : vector<2x4xf32> to vector<2xf32>
    %broadcast_in_dim3A_49 = vector.shape_cast %reduce_sum3A_48 : vector<2xf32> to vector<2x1xf32>
    %div3A_50 = vector.broadcast %broadcast_in_dim3A_49 : vector<2x1xf32> to vector<2x4xf32>
    %div3A_51 = arith.divf %exp3A_46, %div3A_50 : vector<2x4xf32>
    %swap3A_52 = arith.constant 0 : index
    %swap3A_53 = arith.constant 0 : index
    %swap3A_54 = vector.load %arg10[%swap3A_52, %swap3A_53] : memref<2x4xf32, #tpu.memory_space<vmem>>, vector<2x4xf32>
    tpu.vector_store %arg10[%swap3A_52, %swap3A_53], %div3A_51 {strides = array<i32>} : memref<2x4xf32, #tpu.memory_space<vmem>>, vector<2x4xf32>,
    %get3A_55 = arith.constant 0 : index
    %get3A_56 = arith.constant 0 : index
    %get3A_57 = vector.load %arg7[%get3A_55, %get3A_56] : memref<2x4xf32, #tpu.memory_space<vmem>>, vector<2x4xf32>
    %reduce_max3A_58 = arith.constant dense<0xFF800000> : vector<2xf32>
    %reduce_max3A_59 = vector.multi_reduction <maximumf>, %get3A_57, %reduce_max3A_58 [1] : vector<2x4xf32> to vector<2xf32>
    %broadcast_in_dim3A_60 = vector.shape_cast %reduce_max3A_59 : vector<2xf32> to vector<2x1xf32>
    %sub3A_61 = vector.broadcast %broadcast_in_dim3A_60 : vector<2x1xf32> to vector<2x4xf32>
    %sub3A_62 = arith.subf %get3A_57, %sub3A_61 : vector<2x4xf32>
    %exp3A_63 = math.exp %sub3A_62 : vector<2x4xf32>
    %reduce_sum3A_64 = arith.constant dense<0.000000e+00> : vector<2xf32>
    %reduce_sum3A_65 = vector.multi_reduction <add>, %exp3A_63, %reduce_sum3A_64 [1] : vector<2x4xf32> to vector<2xf32>
    %broadcast_in_dim3A_66 = vector.shape_cast %reduce_sum3A_65 : vector<2xf32> to vector<2x1xf32>
    %div3A_67 = vector.broadcast %broadcast_in_dim3A_66 : vector<2x1xf32> to vector<2x4xf32>
    %div3A_68 = arith.divf %exp3A_63, %div3A_67 : vector<2x4xf32>
    %swap3A_69 = arith.constant 0 : index
    %swap3A_70 = arith.constant 0 : index
    %swap3A_71 = vector.load %arg11[%swap3A_69, %swap3A_70] : memref<2x4xf32, #tpu.memory_space<vmem>>, vector<2x4xf32>
    tpu.vector_store %arg11[%swap3A_69, %swap3A_70], %div3A_68 {strides = array<i32>} : memref<2x4xf32, #tpu.memory_space<vmem>>, vector<2x4xf32>,
    return
  }
}

</mosaic_0001>

<sc_bundles>
// kernel: kernel.4.cloned.1.call-start
scs
__scs_entry_jumppad:
0x0: {  	(pc) =	sbr.rel $0x88, $3  }
0x1: {  	(tag) =	ssettag $0x0;
	lr =	simm.s32 $0x1  }
0x2: {  	[smem:$0x3F98] =	sst lr;
	_ =	strace $0xD0000000  }
0x3: {  	_ = 	snop  }
0x4: {  	_ = 	snop  }
0x5: {  	_ = 	snop  }
0x6: {  	_ = 	snop  }
0x7: {  	_ = 	snop  }
__scs_overlays_trampoline_lowered:
0x8: {  	[smem:$0x3FA7] =	sst s0  }
0x9: {  	[smem:$0x3FA8] =	sst s1  }
0xa: {  	[smem:$0x3FA9] =	sst s2  }
0xb: {  	[smem:$0x3FAA] =	sst s3  }
0xc: {  	[smem:$0x3FAB] =	sst s4  }
0xd: {  	[smem:$0x3FAC] =	sst s5  }
0xe: {  	[smem:$0x3FAD] =	sst s6  }
0xf: {  	[smem:$0x3FAE] =	sst s7  }
0x10: {  	[smem:$0x3FAF] =	sst s8  }
0x11: {  	[smem:$0x3FB0] =	sst s9;
	s0 =	simm.s32 @!p0 $0x0  }
0x12: {  	s1 =	sld [smem:$0x3F96];
	s0 =	simm.s32 @p0 $0x1  }
0x13: {  	[smem:$0x3FB1] =	sst s0;
	s0 =	simm.s32 @!p1 $0x0  }
0x14: {  	s2 =	sld [smem:$0x3F95];
	s0 =	simm.s32 @p1 $0x1  }
0x15: {  	[smem:$0x3FB2] =	sst s0;
	s0 =	simm.s32 @!p2 $0x0  }
0x16: {  	s3 =	sld [smem:$0x3FDB];
	s0 =	simm.s32 @p2 $0x1  }
0x17: {  	s4 =	simm.s32 $0x1BF5;
	[smem:$0x3FB4] =	sst s0  }
0x18: {  	s0 =	sld [smem:$0x3F97];
	_ =	swait.ge [sflag:s4], $0x0  }
0x19: {  	s7 =	sld [smem:$0x3F98]  }
0x1a: {  	s8 =	sadd.s32 $0xFFFFE003, lr  }
0x1b: {  	s9 =	sadd.s32 $0xFFFFFEF7, lr;
	s5 =	simm.s32 $0xFFFFFFFF;
	p2 =	slt.u32 s8, $0xFFFFF086  }
0x1c: {  	p1 =	slt.u32 s9, $0xF7A;
	s5 =	simm.s32 @!p2 $0x0  }
0x1d: {  	s5 =	simm.s32 @p1 $0x1;
	p0 =	seq.s32 s7, s2  }
0x1e: {  	s7 =	smul.u32 @!p0 $0xF7A, s2;
	p2 =	seq.s32 @!p0 s5, $0x0  }
0x1f: {  	s9 =	smul.u32 $0xF7A, s1;
	s8 =	simm.s32 @!p0 $0x1BF5;
	p2 =	por !p2, p0  }
0x20: {  	[sflag:s8] =	ssyncset.s32 @!p0 $0xFFFFF086;
	s6 =	sadd.s32 @!p0 s3, s7;
	s7 =	simm.s32 @!p0 $0x108  }
0x21: {  	s3 =	sadd.s32 s3, s9;
	s6 =	sadd.s32 @!p0 $0x88, s6;
	s7 =	simm.s32 @p2 $0x1082  }
0x22: {  	[simem:s7], [sflag:s8] =	dma.local @!p0 [hbm:s6], $0xF7A  }
0x23: {  	s9 =	sor.u32 $0xD0000000, s2;
	s6 =	simm.s32 $0x108;
	_ =	swait.ge @!p0 [sflag:s8], $0x0  }
0x24: {  	s3 =	sadd.s32 $0x88, s3;
	s6 =	simm.s32 @!p1 $0x1082;
	[sflag:s4] =	ssyncset.s32 $0xFFFFF086  }
0x25: {  	[simem:s6], [sflag:s4] =	dma.local [hbm:s3], $0xF7A  }
0x26: {  	[smem:$0x3F98] =	sst s1;
	(tag) =	ssettag s2;
	_ =	strace s9  }
0x27: {  	s1 =	sld [smem:$0x3FA8]  }
0x28: {  	s2 =	sld [smem:$0x3FA9]  }
0x29: {  	s4 =	sld [smem:$0x3FAB]  }
0x2a: {  	p0 =	seq.s32 s5, $0x0;
	s5 =	sld [smem:$0x3FAC]  }
0x2b: {  	s6 =	sld [smem:$0x3FAD]  }
0x2c: {  	s7 =	sld [smem:$0x3FAE]  }
0x2d: {  	s3 =	simm.s32 $0x108;
	s8 =	sld [smem:$0x3FAF]  }
0x2e: {  	s3 =	simm.s32 @!p0 $0x1082;
	s9 =	sld [smem:$0x3FB0]  }
0x2f: {  	lr =	sadd.s32 s0, s3;
	s0 =	sld [smem:$0x3FA7]  }
0x30: {  	s3 =	sld [smem:$0x3FAA]  }
0x31: {  	[smem:$0x3FB3] =	sst s10  }
0x32: {  	s10 =	sld [smem:$0x3FB1];
	_ =	sdelay $0x3  }
0x33: {  	p0 =	seq.s32 s10, $0x1;
	s10 =	sld [smem:$0x3FB3];
	_ =	sdelay $0x3  }
0x34: {  	[smem:$0x3FB3] =	sst s10  }
0x35: {  	s10 =	sld [smem:$0x3FB2];
	_ =	sdelay $0x3  }
0x36: {  	p1 =	seq.s32 s10, $0x1;
	s10 =	sld [smem:$0x3FB3];
	_ =	sdelay $0x3  }
0x37: {  	[smem:$0x3FB3] =	sst s10  }
0x38: {  	s10 =	sld [smem:$0x3FB4]  }
0x39: {  	_ = 	snop;
	(pc) =	sbr.ind lr, $3  }
0x3a: {  	_ = 	snop  }
0x3b: {  	_ = 	snop  }
0x3c: {  	p2 =	seq.s32 s10, $0x1;
	s10 =	sld [smem:$0x3FB3]  }
0x3d: {  	_ =	shalt  }
0x3e: {  	_ =	shalt  }
0x3f: {  	_ =	shalt  }
0x40: {  	_ =	shalt  }
0x41: {  	_ =	shalt  }
0x42: {  	_ =	shalt  }
0x43: {  	_ =	shalt  }
0x44: {  	_ =	shalt  }
0x45: {  	_ =	shalt  }
0x46: {  	_ =	shalt  }
0x47: {  	_ =	shalt  }
0x48: {  	_ =	shalt  }
0x49: {  	_ =	shalt  }
0x4a: {  	_ =	shalt  }
0x4b: {  	_ =	shalt  }
0x4c: {  	_ =	shalt  }
0x4d: {  	_ =	shalt  }
0x4e: {  	_ =	shalt  }
0x4f: {  	_ =	shalt  }
0x50: {  	_ =	shalt  }
0x51: {  	_ =	shalt  }
0x52: {  	_ =	shalt  }
0x53: {  	_ =	shalt  }
0x54: {  	_ =	shalt  }
0x55: {  	_ =	shalt  }
0x56: {  	_ =	shalt  }
0x57: {  	_ =	shalt  }
0x58: {  	_ =	shalt  }
0x59: {  	_ =	shalt  }
0x5a: {  	_ =	shalt  }
0x5b: {  	_ =	shalt  }
0x5c: {  	_ =	shalt  }
0x5d: {  	_ =	shalt  }
0x5e: {  	_ =	shalt  }
0x5f: {  	_ =	shalt  }
0x60: {  	_ =	shalt  }
0x61: {  	_ =	shalt  }
0x62: {  	_ =	shalt  }
0x63: {  	_ =	shalt  }
0x64: {  	_ =	shalt  }
0x65: {  	_ =	shalt  }
0x66: {  	_ =	shalt  }
0x67: {  	_ =	shalt  }
0x68: {  	_ =	shalt  }
0x69: {  	_ =	shalt  }
0x6a: {  	_ =	shalt  }
0x6b: {  	_ =	shalt  }
0x6c: {  	_ =	shalt  }
0x6d: {  	_ =	shalt  }
0x6e: {  	_ =	shalt  }
0x6f: {  	_ =	shalt  }
0x70: {  	_ =	shalt  }
0x71: {  	_ =	shalt  }
0x72: {  	_ =	shalt  }
0x73: {  	_ =	shalt  }
0x74: {  	_ =	shalt  }
0x75: {  	_ =	shalt  }
0x76: {  	_ =	shalt  }
0x77: {  	_ =	shalt  }
0x78: {  	_ =	shalt  }
0x79: {  	_ =	shalt  }
0x7a: {  	_ =	shalt  }
0x7b: {  	_ =	shalt  }
0x7c: {  	_ =	shalt  }
0x7d: {  	_ =	shalt  }
0x7e: {  	_ =	shalt  }
0x7f: {  	_ =	shalt  }
0x80: {  	_ =	shalt  }
0x81: {  	_ =	shalt  }
0x82: {  	_ =	shalt  }
0x83: {  	_ =	shalt  }
0x84: {  	_ =	shalt  }
0x85: {  	_ =	shalt  }
0x86: {  	_ =	shalt  }
0x87: {  	_ =	shalt  }
.Lfunc_end0:
.L_simem_size_0:
called_computation_lowered:
.L_overlay_start_0:
0x88: {  	s0 =	sld [smem:$0x3FD9]  }
0x89: {  	s1 =	sld [smem:$0x3FFE];
	_ =	sdelay $0x3  }
0x8a: {  	s0 =	sadd.s32 s1, s0  }
0x8b: {  	[smem:$0x3FBF] =	sst s0  }
0x8c: {  	_ = 	snop  }
0x8d: {  	s0 =	sld [smem:$0x3FC9]  }
0x8e: {  	s16 =	sld [smem:$0x3FC8];
	(tm) =	ssettm $0x1  }
0x8f: {  	s2 =	sld [smem:$0x3FFB];
	_ =	sdelay $0x3  }
0x90: {  	_ =	strace s2  }
0x91: {  	s2 =	sld [smem:$0x3FFC];
	_ =	sdelay $0x3  }
0x92: {  	_ =	strace s2  }
0x93: {  	s2 =	sld [smem:$0x3FFD];
	_ =	sdelay $0x3  }
0x94: {  	_ =	strace s2  }
0x95: {  	_ =	strace $0x8FFFFFFF  }
0x96: {  	s17 =	sld [smem:$0x3FDB];
	_ =	sdelay $0x1  }
0x97: {  	s3 =	simm.s32 $_scs_section_size  }
0x98: {  	s4 =	simm.s32 $_size__tile_overlayer_lowered;
	s5 =	simm.s32 $_tile_overlayer_lowered  }
0x99: {  	s20 =	simm.s32 $0x1BFF;
	s19 =	sshll.u32 s5, $0x1;
	s2 =	sadd.s32 s3, s17  }
0x9a: {  	s6 =	simm.s32 $0x0;
	s18 =	sshll.u32 s4, $0x1;
	s4 =	sadd.s32 s19, s2  }
0x9b: {  	[timem:s6], [sflag:s20] =	dma.local [hbm:s4], s18  }
0x9c: {  	_ =	swait.ge [sflag:s20], s18  }
0x9d: {  	s3 =	ssub.s32 $0x0, s18;
	[sflag:s20] =	ssyncset.done $0x0  }
0x9e: {  	[sflag:s20] =	ssyncadd.s32 s3;
	_ =	sdelay $0x1  }
0x9f: {  	s21 =	simm.s32 $0x1B8B  }
0xa0: {  	_ =	swait.ge [sflag:s21], $0x1  }
0xa1: {  	[sflag:s21] =	ssyncset.done $0x0  }
0xa2: {  	s23 =	simm.s32 $0x1B8E;
	s22 =	sld [smem:$0x3FFE];
	[sflag:s21] =	ssyncadd.s32 $0xFFFFFFFF  }
0xa3: {  	s24 =	simm.s32 $execute0_lowered;
	[smem:$0x3FD2] =	sst s23  }
0xa4: {  	s4 =	sshll.u32 s24, $0x1;
	_ =	strace $0x80000046;
	[dreg:$0x1] =	wrdreg $0xFFFFFFFF  }
0xa5: {  	s25 =	simm.s32 $_size_execute0_lowered;
	s2 =	sadd.s32 s2, s4;
	[dreg:$0x0] =	wrdreg $0x0  }
0xa6: {  	s4 =	sshll.u32 s25, $0x1;
	[dreg:$0x2] =	wrdreg s2  }
0xa7: {  	[dreg:$0x3] =	wrdreg s4  }
0xa8: {  	[dreg:$0x4] =	wrdreg $0xC0  }
0xa9: {  	_ =	task [dreg:s6], $0x5FFFF  }
0xaa: {  	[dreg:$0x1] =	wrdreg $0xFFFFFFFF  }
0xab: {  	[dreg:$0x0] =	wrdreg $0x60  }
0xac: {  	[dreg:$0x2] =	wrdreg s0  }
0xad: {  	[dreg:$0x3] =	wrdreg s16  }
0xae: {  	[dreg:$0x4] =	wrdreg s22  }
0xaf: {  	[dreg:$0x5] =	wrdreg $0x9  }
0xb0: {  	_ =	task.clear_ibuf [dreg:s6], $0x6FFFF;
	_ =	strace $0x90000046  }
0xb1: {  	s26 =	simm.s32 $0x9;
	_ =	strace $0x80000048  }
0xb2: {  	_ =	swait.ge [sflag:s26], $0x1  }
0xb3: {  	[sflag:s26] =	ssyncadd.s32 $0xFFFFFFFF  }
0xb4: {  	_ =	strace $0x90000048  }
0xb5: {  	_ =	sfence  }
0xb6: {  	s28 =	sld [smem:$0x0];
	_ =	sdelay $0x1  }
0xb7: {  	s29 =	srdreg.scid  }
0xb8: {  	s30 =	sshll.u32 s29, $0xD;
	s31 =	sshrl.u32 s29, $0x2  }
0xb9: {  	s1 =	sand.u32 $0x1, s29;
	s2 =	sand.u32 $0x4000, s30;
	s0 =	sadd.s32 s31, s28  }
0xba: {  	s1 =	sor.u32 s2, s1;
	s0 =	sshll.u32 s0, $0x11  }
0xbb: {  	s0 =	sor.u32 s0, s1  }
0xbc: {  	s0 =	sadd.s32 $0x8F2B, s0  }
0xbd: {  	[sflag:s0] =	ssyncadd.remote.s32 $0x1  }
0xbe: {  	_ =	sfence.sel $0xFFFF  }
0xbf: {  	[dreg:$0x0] =	wrdreg $0xFFFFFFFF;
	(pc) =	sbr.abs _section_cstart, $3  }
0xc0: {  	[dreg:$0x1] =	wrdreg $0xFFFFFFFF  }
0xc1: {  	_ =	task.clear_ibuf [dreg:s6], $0x2FFFF;
	_ =	strace $0x9FFFFFFF  }
0xc2: {  	(tm) =	ssettm $0x7FFFFFFF  }
0xc3: {  	_ =	shalt  }
tec
execute0_lowered:
.L_overlay_start_1:
0x0: {  	(tag) =	ssettag $0x1  }
0x1: {  	s0 =	rddreg [dreg:$0x0]  }
0x2: {  	s1 =	rddreg [dreg:$0x1]  }
0x3: {  	s2 =	rddreg [dreg:$0x2]  }
0x4: {  	s3 =	rddreg [dreg:$0x3];
	s4 =	simm.s32 $0x0;
	s5 =	stileid.u32  }
0x5: {  	[smem:$0x7FF] =	sst s4;
	s6 =	sshll.u32 s5, $0x3  }
0x6: {  	s28 =	simm.s32 $0x2;
	_ =	strace $0x80000047;
	s1 =	sadd.s32 s1, s6  }
0x7: {  	[tilespmem:s4], [sflag:$0x2] =	stream.linear.gather [hbm4b:s1+s4], $0x40, $0x38;
	[tilespmem:$0x2080] =	vst v63  }
0x8: {  	_ =	swait.ge [sflag:s28], $0x40  }
0x9: {  	s29 =	simm.s32 $0x40;
	[sflag:s28] =	ssyncset.done $0x0  }
0xa: {  	s7 =	simm.s32 $0x80;
	s30 =	simm.s32 $0x1;
	[sflag:s28] =	ssyncadd.s32 $0xFFFFFFC0  }
0xb: {  	[tilespmem:s7], [sflag:$0x1] =	stream.indirect.gather [hbm4b:s0+s29], $0x80, s4, s29, $0xb8;
	[tilespmem:$0x2080] =	vst v63  }
0xc: {  	s31 =	sshll.u32 s5, $0xA;
	_ =	swait.ge [sflag:s30], $0x2000  }
0xd: {  	s2 =	sadd.s32 s31, s2;
	[sflag:s30] =	ssyncset.done $0x0  }
0xe: {  	s2 =	sadd.s32 $0x1600, s2;
	[sflag:s30] =	ssyncadd.s32 $0xFFFFE000  }
0xf: {  	[hbm4b:s2+s4] =	stream.linear.scatter [tilespmem:s7], [sflag:$0x2], $0x2000, $0x38;
	[tilespmem:$0x2080] =	vst v63  }
0x10: {  	_ =	swait.ge [sflag:s28], $0x2000  }
0x11: {  	[sflag:s28] =	ssyncset.done $0x0  }
0x12: {  	[sflag:s28] =	ssyncadd.s32 $0xFFFFE000  }
0x13: {  	_ =	sfence.sel $0x180000  }
0x14: {  	[bflag:$0x0] =	sbarrier.arrive $0xFFFF  }
0x15: {  	p0 =	sne.s32 s5, $0x0;
	_ =	strace $0x90000047  }
0x16: {  	s0 =	sadd.s32 @!p0 $0x100000, s3;
	[bflag:$0x2] =	sbarrier.arrive $0xFFFF  }
0x17: {  	[sflag:s0] =	ssyncadd.tile.s32 @!p0 $0x1;
	_ =	shalt  }
.Lfunc_end2:
_tile_overlayer_lowered:
.L_overlay_start_2:
0x18: {  	(tag) =	ssettag $0x2  }
0x19: {  	s0 =	rddreg [dreg:$0x0];
	s2 =	stileid.u32  }
0x1a: {  	s1 =	rddreg [dreg:$0x1];
	p0 =	sne.s32 s2, $0x0  }
0x1b: {  	s3 =	rddreg [dreg:$0x2];
	[bflag:$0x3] =	sbarrier.arrive $0xFFFF;
	s2 =	simm.s32 @!p0 $0x1C02  }
0x1c: {  	[timem:s3], [sflag:s2] =	dma.local @!p0 [hbm:s0], s1  }
0x1d: {  	s0 =	simm.s32 @!p0 $0x2  }
0x1e: {  	_ =	swait.ge @!p0 [sflag:s0], s1  }
0x1f: {  	s1 =	ssub.s32 @!p0 $0x0, s1;
	[sflag:s0] =	ssyncset.done @!p0 $0x0  }
0x20: {  	[sflag:s0] =	ssyncadd.s32 @!p0 s1  }
0x21: {  	[bflag:$0x3] =	sbarrier.arrive $0xFFFF  }
0x22: {  	_ =	shalt  }

</sc_bundles>
